<compile_context>
chip_gen: v7x
topology: tpu7x:2x2x1
jax: 0.10.2.dev20260603
libtpu: 0.0.44.dev20260713+nightly
codegen_flags: <defaults>
</compile_context>

<pallas_src>
import functools

import jax
import jax.numpy as jnp
from jax import lax
from jax.experimental import pallas as pl
from jax.experimental.pallas import tpu as pltpu
from jax.experimental.pallas import tpu_sc as plsc

B, S, H, E, K = 4, 8192, 768, 8, 2
T = B * S
NSC = 2
NW = NSC * 16
L = 16

TBLK = 4096
NCH = 1
CT = T // NCH
TPC = CT // NW
GPCH = TPC // L


def _tc_dot_body(x_ref, w_ref, o_ref):
    o_ref[...] = jnp.dot(x_ref[...], w_ref[...],
                         preferred_element_type=jnp.float32)


def _tc_dot_chunk(x2d, w128, cid):
    nblk = CT // TBLK
    return pl.pallas_call(
        _tc_dot_body,
        grid=(nblk,),
        in_specs=[
            pl.BlockSpec((TBLK, H), lambda i, c=cid: (c * nblk + i, 0)),
            pl.BlockSpec((H, 128), lambda i: (0, 0)),
        ],
        out_specs=pl.BlockSpec((TBLK, 128), lambda i: (i, 0)),
        out_shape=jax.ShapeDtypeStruct((CT, 128), jnp.float32),
    )(x2d, w128)


def _sc_router_body(dots_hbm, out_hbm, in_v, out_v, sem):
    c = lax.axis_index("c")
    s = lax.axis_index("s")
    wid = s * NSC + c
    base = wid * TPC

    lane = lax.iota(jnp.int32, 16)
    neg_inf = jnp.full((16,), -jnp.inf, jnp.float32)
    one = jnp.full((16,), 1.0, jnp.float32)
    zero = jnp.zeros((16,), jnp.float32)
    ecol = [jnp.full((16,), e, jnp.int32) for e in range(E)]

    cp = pltpu.async_copy(dots_hbm.at[pl.ds(base, TPC), pl.ds(0, 16)],
                          in_v, sem)

    def zrow(g, _):
        def z16(k, _):
            out_v[g, pl.ds(k * L, L)] = zero
            return 0
        lax.fori_loop(0, 128 // L, z16, 0)
        return 0
    lax.fori_loop(0, GPCH, zrow, 0)
    cp.wait()

    def group(g, _):
        rows = g * L + lane
        v = [plsc.load_gather(in_v, [rows, ecol[e]]) for e in range(E)]
        m1 = v[0]
        i1 = jnp.zeros((16,), jnp.int32)
        for e in range(1, E):
            gt = v[e] > m1
            m1 = jnp.where(gt, v[e], m1)
            i1 = jnp.where(gt, e, i1)
        m2 = neg_inf
        i2 = jnp.zeros((16,), jnp.int32)
        for e in range(E):
            cand = jnp.where(i1 == e, neg_inf, v[e])
            gt = cand > m2
            m2 = jnp.where(gt, cand, m2)
            i2 = jnp.where(gt, e, i2)
        e2 = jnp.exp(m2 - m1)
        r1 = one / (one + e2)
        r2 = one - r1
        grow = jnp.full((16,), 0, jnp.int32) + g
        lE = lane * E
        plsc.store_scatter(out_v, [grow, lE + i1], r1)
        plsc.store_scatter(out_v, [grow, lE + i2], r2)
        return 0

    lax.fori_loop(0, GPCH, group, 0)
    pltpu.sync_copy(out_v, out_hbm.at[pl.ds(wid * GPCH, GPCH)])


@functools.partial(
    pl.kernel,
    mesh=plsc.VectorSubcoreMesh(core_axis_name="c", subcore_axis_name="s",
                                num_cores=NSC),
    out_type=jax.ShapeDtypeStruct((CT * E // 128, 128), jnp.float32),
    scratch_types=[
        pltpu.VMEM((TPC, 16), jnp.float32),
        pltpu.VMEM((GPCH, 128), jnp.float32),
        pltpu.SemaphoreType.DMA,
    ],
    compiler_params=pltpu.CompilerParams(needs_layout_passes=False,
                                         use_tc_tiling_on_sc=False),
)
def _sc_router(dots_hbm, out_hbm, in_v, out_v, sem):
    _sc_router_body(dots_hbm, out_hbm, in_v, out_v, sem)


def kernel(x, expert_embeddings):
    x2d = x.reshape(T, H)
    w128 = jnp.zeros((H, 128), jnp.float32).at[:, :E].set(expert_embeddings.T)
    probs = [_sc_router(_tc_dot_chunk(x2d, w128, cid)) for cid in range(NCH)]
    probs = probs[0] if NCH == 1 else jnp.concatenate(probs, axis=0)
    return probs.reshape(B, S, E)

# --- scband reference (transcript-rebuilt; emitter-appended) ---
"""Pipeline reference for scband-router-75453985456665 (READ-ONLY COPY).

The authoritative reference and input builder live on the scoring server;
editing this copy changes nothing except your own understanding.
"""

import jax, jax.numpy as jnp
import numpy as np

B, S, H, E, K = 4, 8192, 768, 8, 2

def setup_inputs(seed: int = 0) -> dict:
    key = jax.random.key(seed)
    k1, k2 = jax.random.split(key)
    x = jax.random.normal(k1, (B, S, H), dtype=jnp.float32)
    # kaiming_uniform_ with nonlinearity='linear': gain=1, bound = sqrt(3)/sqrt(fan_in)
    bound = float(np.sqrt(3.0) / np.sqrt(H))
    expert_embeddings = jax.random.uniform(k2, (E, H), minval=-bound, maxval=bound, dtype=jnp.float32)
    return {"x": x, "expert_embeddings": expert_embeddings}

def reference(x, expert_embeddings):
    dot = jnp.einsum('bsh,eh->bse', x, expert_embeddings)
    vals, idx = jax.lax.top_k(dot, K)
    full = jnp.full_like(dot, -jnp.inf)
    b = jnp.arange(dot.shape[0])[:, None, None]
    s = jnp.arange(dot.shape[1])[None, :, None]
    top_k = full.at[b, s, idx].set(vals)
    res = jax.nn.softmax(top_k, axis=-1)
    return res

if __name__ == "__main__":
    import jax
    _d = setup_inputs()
    print(jax.jit(kernel)(*tuple(_d.values())))

</pallas_src>

<mosaic_0001>
#map = affine_map<(d0, d1) -> (0, 0)>
module attributes {stable_mosaic.version = 14 : i64} {
  func.func @_sc_router(%arg0: i32, %arg1: i32, %arg2: memref<32768x128xf32, #tpu.memory_space<hbm>>, %arg3: memref<2048x128xf32, #tpu.memory_space<hbm>>, %arg4: memref<1024x16xf32, #tpu.memory_space<vmem>>, %arg5: memref<64x128xf32, #tpu.memory_space<vmem>>, %arg6: memref<!tpu.dma_semaphore, #tpu.memory_space<semaphore_mem>>) attributes {dimension_semantics = [#tpu.dimension_semantics<core_parallel>, #tpu.dimension_semantics<subcore_parallel>], iteration_bounds = array<i64: 2, 16>, scalar_prefetch = 0 : i64, scratch_operands = 3 : i64, tpu.core_type = #tpu.core_type<sc_vector_subcore>, window_params = [{transform_indices = #map}, {transform_indices = #map}]} {
    %mul3A = arith.constant 2 : i32
    %mul3A_0 = arith.muli %arg1, %mul3A : i32
    %add3A = arith.addi %mul3A_0, %arg0 : i32
    %mul3A_1 = arith.constant 1024 : i32
    %mul3A_2 = arith.muli %add3A, %mul3A_1 : i32
    %iota3A = tpu.iota {dimensions = array<i32: 0>} : vector<16xi32>
    %broadcast_in_dim3A = arith.constant 0xFF800000 : f32
    %broadcast_in_dim3A_3 = vector.broadcast %broadcast_in_dim3A : f32 to vector<16xf32>
    %broadcast_in_dim3A_4 = arith.constant 1.000000e+00 : f32
    %broadcast_in_dim3A_5 = vector.broadcast %broadcast_in_dim3A_4 : f32 to vector<16xf32>
    %broadcast_in_dim3A_6 = arith.constant 0.000000e+00 : f32
    %broadcast_in_dim3A_7 = vector.broadcast %broadcast_in_dim3A_6 : f32 to vector<16xf32>
    %broadcast_in_dim3A_8 = arith.constant 0 : i32
    %broadcast_in_dim3A_9 = vector.broadcast %broadcast_in_dim3A_8 : i32 to vector<16xi32>
    %broadcast_in_dim3A_10 = arith.constant 1 : i32
    %broadcast_in_dim3A_11 = vector.broadcast %broadcast_in_dim3A_10 : i32 to vector<16xi32>
    %broadcast_in_dim3A_12 = arith.constant 2 : i32
    %broadcast_in_dim3A_13 = vector.broadcast %broadcast_in_dim3A_12 : i32 to vector<16xi32>
    %broadcast_in_dim3A_14 = arith.constant 3 : i32
    %broadcast_in_dim3A_15 = vector.broadcast %broadcast_in_dim3A_14 : i32 to vector<16xi32>
    %broadcast_in_dim3A_16 = arith.constant 4 : i32
    %broadcast_in_dim3A_17 = vector.broadcast %broadcast_in_dim3A_16 : i32 to vector<16xi32>
    %broadcast_in_dim3A_18 = arith.constant 5 : i32
    %broadcast_in_dim3A_19 = vector.broadcast %broadcast_in_dim3A_18 : i32 to vector<16xi32>
    %broadcast_in_dim3A_20 = arith.constant 6 : i32
    %broadcast_in_dim3A_21 = vector.broadcast %broadcast_in_dim3A_20 : i32 to vector<16xi32>
    %broadcast_in_dim3A_22 = arith.constant 7 : i32
    %broadcast_in_dim3A_23 = vector.broadcast %broadcast_in_dim3A_22 : i32 to vector<16xi32>
    %dma_start3A = arith.constant 0 : i32
    %dma_start3A_24 = tpu.memref_slice %arg2[%mul3A_2, %dma_start3A] : memref<32768x128xf32, #tpu.memory_space<hbm>> -> memref<1024x16xf32, #tpu.memory_space<hbm>>
    %dma_start3A_25 = arith.constant 0 : i32
    %dma_start3A_26 = tpu.memref_slice %arg2[%mul3A_2, %dma_start3A_25] : memref<32768x128xf32, #tpu.memory_space<hbm>> -> memref<1024x16xf32, #tpu.memory_space<hbm>>
    tpu.enqueue_dma source(%dma_start3A_26 : memref<1024x16xf32, #tpu.memory_space<hbm>>) target(%arg4 : memref<1024x16xf32, #tpu.memory_space<vmem>>) target_semaphore(%arg6 : memref<!tpu.dma_semaphore, #tpu.memory_space<semaphore_mem>>)
    %scan3A = arith.constant 0 : i32
    %scan3A_27 = arith.constant 0 : i32
    %scan3A_28 = arith.constant 64 : i32
    %scan3A_29 = arith.addi %scan3A_27, %scan3A_28 : i32
    %scan3A_30 = arith.constant 1 : i32
    %scan3A_31 = scf.for %scan3A_45 = %scan3A_27 to %scan3A_29 step %scan3A_30 iter_args(%scan3A_46 = %scan3A) -> (i32)  : i32 {
      %scan3A_47 = arith.constant 0 : i32
      %scan3A_48 = arith.constant 0 : i32
      %scan3A_49 = arith.constant 8 : i32
      %scan3A_50 = arith.addi %scan3A_48, %scan3A_49 : i32
      %scan3A_51 = arith.constant 1 : i32
      %scan3A_52 = scf.for %scan3A_55 = %scan3A_48 to %scan3A_50 step %scan3A_51 iter_args(%scan3A_56 = %scan3A_47) -> (i32)  : i32 {
        %mul3A_57 = arith.constant 16 : i32
        %mul3A_58 = arith.muli %scan3A_55, %mul3A_57 : i32
        %swap3A = arith.index_cast %scan3A_45 : i32 to index
        %swap3A_59 = arith.index_cast %mul3A_58 : i32 to index
        %swap3A_60 = tpu.vector_load %arg5[%swap3A, %swap3A_59] {strides = array<i32>} : memref<64x128xf32, #tpu.memory_space<vmem>>, vector<16xf32>,
        tpu.vector_store %arg5[%swap3A, %swap3A_59], %broadcast_in_dim3A_7 {strides = array<i32>} : memref<64x128xf32, #tpu.memory_space<vmem>>, vector<16xf32>,
        %scan3A_61 = arith.constant 0 : i32
        scf.yield %scan3A_61 : i32
      }
      %scan3A_53 = arith.constant 8 : i32
      %scan3A_54 = arith.constant 0 : i32
      scf.yield %scan3A_54 : i32
    }
    %scan3A_32 = arith.constant 64 : i32
    %dma_wait3A = arith.constant 0 : i32
    %dma_wait3A_33 = tpu.memref_slice %arg2[%mul3A_2, %dma_wait3A] : memref<32768x128xf32, #tpu.memory_space<hbm>> -> memref<1024x16xf32, #tpu.memory_space<hbm>>
    %dma_wait3A_34 = arith.constant 0 : i32
    %dma_wait3A_35 = tpu.memref_slice %arg2[%mul3A_2, %dma_wait3A_34] : memref<32768x128xf32, #tpu.memory_space<hbm>> -> memref<1024x16xf32, #tpu.memory_space<hbm>>
    tpu.wait_dma2 semaphore(%arg6 : memref<!tpu.dma_semaphore, #tpu.memory_space<semaphore_mem>>) src(%dma_wait3A_35 : memref<1024x16xf32, #tpu.memory_space<hbm>>) dst(%arg4 : memref<1024x16xf32, #tpu.memory_space<vmem>>)
    %scan3A_36 = arith.constant 0 : i32
    %scan3A_37 = arith.constant 0 : i32
    %scan3A_38 = arith.constant 64 : i32
    %scan3A_39 = arith.addi %scan3A_37, %scan3A_38 : i32
    %scan3A_40 = arith.constant 1 : i32
    %scan3A_41 = scf.for %scan3A_45 = %scan3A_37 to %scan3A_39 step %scan3A_40 iter_args(%scan3A_46 = %scan3A_36) -> (i32)  : i32 {
      %mul3A_47 = arith.constant 16 : i32
      %mul3A_48 = arith.muli %scan3A_45, %mul3A_47 : i32
      %add3A_49 = vector.broadcast %mul3A_48 : i32 to vector<16xi32>
      %add3A_50 = arith.addi %add3A_49, %iota3A : vector<16xi32>
      %gather3A = tpu.vector_load_idx %arg4[%add3A_50, %broadcast_in_dim3A_9] : memref<1024x16xf32, #tpu.memory_space<vmem>>[vector<16xi32>, vector<16xi32>], vector<16xf32>,
      %gather3A_51 = tpu.vector_load_idx %arg4[%add3A_50, %broadcast_in_dim3A_11] : memref<1024x16xf32, #tpu.memory_space<vmem>>[vector<16xi32>, vector<16xi32>], vector<16xf32>,
      %gather3A_52 = tpu.vector_load_idx %arg4[%add3A_50, %broadcast_in_dim3A_13] : memref<1024x16xf32, #tpu.memory_space<vmem>>[vector<16xi32>, vector<16xi32>], vector<16xf32>,
      %gather3A_53 = tpu.vector_load_idx %arg4[%add3A_50, %broadcast_in_dim3A_15] : memref<1024x16xf32, #tpu.memory_space<vmem>>[vector<16xi32>, vector<16xi32>], vector<16xf32>,
      %gather3A_54 = tpu.vector_load_idx %arg4[%add3A_50, %broadcast_in_dim3A_17] : memref<1024x16xf32, #tpu.memory_space<vmem>>[vector<16xi32>, vector<16xi32>], vector<16xf32>,
      %gather3A_55 = tpu.vector_load_idx %arg4[%add3A_50, %broadcast_in_dim3A_19] : memref<1024x16xf32, #tpu.memory_space<vmem>>[vector<16xi32>, vector<16xi32>], vector<16xf32>,
      %gather3A_56 = tpu.vector_load_idx %arg4[%add3A_50, %broadcast_in_dim3A_21] : memref<1024x16xf32, #tpu.memory_space<vmem>>[vector<16xi32>, vector<16xi32>], vector<16xf32>,
      %gather3A_57 = tpu.vector_load_idx %arg4[%add3A_50, %broadcast_in_dim3A_23] : memref<1024x16xf32, #tpu.memory_space<vmem>>[vector<16xi32>, vector<16xi32>], vector<16xf32>,
      %broadcast_in_dim3A_58 = arith.constant 0 : i32
      %broadcast_in_dim3A_59 = vector.broadcast %broadcast_in_dim3A_58 : i32 to vector<16xi32>
      %gt3A = arith.cmpf ogt, %gather3A_51, %gather3A : vector<16xf32>
      %select_n3A = arith.select %gt3A, %gather3A_51, %gather3A : vector<16xi1>, vector<16xf32>
      %jit3A = arith.constant 1 : i32
      %broadcast_in_dim3A_60 = vector.broadcast %jit3A : i32 to vector<16xi32>
      %select_n3A_61 = arith.select %gt3A, %broadcast_in_dim3A_60, %broadcast_in_dim3A_59 : vector<16xi1>, vector<16xi32>
      %gt3A_62 = arith.cmpf ogt, %gather3A_52, %select_n3A : vector<16xf32>
      %select_n3A_63 = arith.select %gt3A_62, %gather3A_52, %select_n3A : vector<16xi1>, vector<16xf32>
      %jit3A_64 = arith.constant 2 : i32
      %broadcast_in_dim3A_65 = vector.broadcast %jit3A_64 : i32 to vector<16xi32>
      %select_n3A_66 = arith.select %gt3A_62, %broadcast_in_dim3A_65, %select_n3A_61 : vector<16xi1>, vector<16xi32>
      %gt3A_67 = arith.cmpf ogt, %gather3A_53, %select_n3A_63 : vector<16xf32>
      %select_n3A_68 = arith.select %gt3A_67, %gather3A_53, %select_n3A_63 : vector<16xi1>, vector<16xf32>
      %jit3A_69 = arith.constant 3 : i32
      %broadcast_in_dim3A_70 = vector.broadcast %jit3A_69 : i32 to vector<16xi32>
      %select_n3A_71 = arith.select %gt3A_67, %broadcast_in_dim3A_70, %select_n3A_66 : vector<16xi1>, vector<16xi32>
      %gt3A_72 = arith.cmpf ogt, %gather3A_54, %select_n3A_68 : vector<16xf32>
      %select_n3A_73 = arith.select %gt3A_72, %gather3A_54, %select_n3A_68 : vector<16xi1>, vector<16xf32>
      %jit3A_74 = arith.constant 4 : i32
      %broadcast_in_dim3A_75 = vector.broadcast %jit3A_74 : i32 to vector<16xi32>
      %select_n3A_76 = arith.select %gt3A_72, %broadcast_in_dim3A_75, %select_n3A_71 : vector<16xi1>, vector<16xi32>
      %gt3A_77 = arith.cmpf ogt, %gather3A_55, %select_n3A_73 : vector<16xf32>
      %select_n3A_78 = arith.select %gt3A_77, %gather3A_55, %select_n3A_73 : vector<16xi1>, vector<16xf32>
      %jit3A_79 = arith.constant 5 : i32
      %broadcast_in_dim3A_80 = vector.broadcast %jit3A_79 : i32 to vector<16xi32>
      %select_n3A_81 = arith.select %gt3A_77, %broadcast_in_dim3A_80, %select_n3A_76 : vector<16xi1>, vector<16xi32>
      %gt3A_82 = arith.cmpf ogt, %gather3A_56, %select_n3A_78 : vector<16xf32>
      %select_n3A_83 = arith.select %gt3A_82, %gather3A_56, %select_n3A_78 : vector<16xi1>, vector<16xf32>
      %jit3A_84 = arith.constant 6 : i32
      %broadcast_in_dim3A_85 = vector.broadcast %jit3A_84 : i32 to vector<16xi32>
      %select_n3A_86 = arith.select %gt3A_82, %broadcast_in_dim3A_85, %select_n3A_81 : vector<16xi1>, vector<16xi32>
      %gt3A_87 = arith.cmpf ogt, %gather3A_57, %select_n3A_83 : vector<16xf32>
      %select_n3A_88 = arith.select %gt3A_87, %gather3A_57, %select_n3A_83 : vector<16xi1>, vector<16xf32>
      %jit3A_89 = arith.constant 7 : i32
      %broadcast_in_dim3A_90 = vector.broadcast %jit3A_89 : i32 to vector<16xi32>
      %select_n3A_91 = arith.select %gt3A_87, %broadcast_in_dim3A_90, %select_n3A_86 : vector<16xi1>, vector<16xi32>
      %broadcast_in_dim3A_92 = arith.constant 0 : i32
      %broadcast_in_dim3A_93 = vector.broadcast %broadcast_in_dim3A_92 : i32 to vector<16xi32>
      %eq3A = arith.constant 0 : i32
      %eq3A_94 = vector.broadcast %eq3A : i32 to vector<16xi32>
      %eq3A_95 = arith.cmpi eq, %select_n3A_91, %eq3A_94 : vector<16xi32>
      %select_n3A_96 = arith.select %eq3A_95, %broadcast_in_dim3A_3, %gather3A : vector<16xi1>, vector<16xf32>
      %gt3A_97 = arith.cmpf ogt, %select_n3A_96, %broadcast_in_dim3A_3 : vector<16xf32>
      %select_n3A_98 = arith.select %gt3A_97, %select_n3A_96, %broadcast_in_dim3A_3 : vector<16xi1>, vector<16xf32>
      %jit3A_99 = arith.constant 0 : i32
      %broadcast_in_dim3A_100 = vector.broadcast %jit3A_99 : i32 to vector<16xi32>
      %select_n3A_101 = arith.select %gt3A_97, %broadcast_in_dim3A_100, %broadcast_in_dim3A_93 : vector<16xi1>, vector<16xi32>
      %eq3A_102 = arith.constant 1 : i32
      %eq3A_103 = vector.broadcast %eq3A_102 : i32 to vector<16xi32>
      %eq3A_104 = arith.cmpi eq, %select_n3A_91, %eq3A_103 : vector<16xi32>
      %select_n3A_105 = arith.select %eq3A_104, %broadcast_in_dim3A_3, %gather3A_51 : vector<16xi1>, vector<16xf32>
      %gt3A_106 = arith.cmpf ogt, %select_n3A_105, %select_n3A_98 : vector<16xf32>
      %select_n3A_107 = arith.select %gt3A_106, %select_n3A_105, %select_n3A_98 : vector<16xi1>, vector<16xf32>
      %jit3A_108 = arith.constant 1 : i32
      %broadcast_in_dim3A_109 = vector.broadcast %jit3A_108 : i32 to vector<16xi32>
      %select_n3A_110 = arith.select %gt3A_106, %broadcast_in_dim3A_109, %select_n3A_101 : vector<16xi1>, vector<16xi32>
      %eq3A_111 = arith.constant 2 : i32
      %eq3A_112 = vector.broadcast %eq3A_111 : i32 to vector<16xi32>
      %eq3A_113 = arith.cmpi eq, %select_n3A_91, %eq3A_112 : vector<16xi32>
      %select_n3A_114 = arith.select %eq3A_113, %broadcast_in_dim3A_3, %gather3A_52 : vector<16xi1>, vector<16xf32>
      %gt3A_115 = arith.cmpf ogt, %select_n3A_114, %select_n3A_107 : vector<16xf32>
      %select_n3A_116 = arith.select %gt3A_115, %select_n3A_114, %select_n3A_107 : vector<16xi1>, vector<16xf32>
      %jit3A_117 = arith.constant 2 : i32
      %broadcast_in_dim3A_118 = vector.broadcast %jit3A_117 : i32 to vector<16xi32>
      %select_n3A_119 = arith.select %gt3A_115, %broadcast_in_dim3A_118, %select_n3A_110 : vector<16xi1>, vector<16xi32>
      %eq3A_120 = arith.constant 3 : i32
      %eq3A_121 = vector.broadcast %eq3A_120 : i32 to vector<16xi32>
      %eq3A_122 = arith.cmpi eq, %select_n3A_91, %eq3A_121 : vector<16xi32>
      %select_n3A_123 = arith.select %eq3A_122, %broadcast_in_dim3A_3, %gather3A_53 : vector<16xi1>, vector<16xf32>
      %gt3A_124 = arith.cmpf ogt, %select_n3A_123, %select_n3A_116 : vector<16xf32>
      %select_n3A_125 = arith.select %gt3A_124, %select_n3A_123, %select_n3A_116 : vector<16xi1>, vector<16xf32>
      %jit3A_126 = arith.constant 3 : i32
      %broadcast_in_dim3A_127 = vector.broadcast %jit3A_126 : i32 to vector<16xi32>
      %select_n3A_128 = arith.select %gt3A_124, %broadcast_in_dim3A_127, %select_n3A_119 : vector<16xi1>, vector<16xi32>
      %eq3A_129 = arith.constant 4 : i32
      %eq3A_130 = vector.broadcast %eq3A_129 : i32 to vector<16xi32>
      %eq3A_131 = arith.cmpi eq, %select_n3A_91, %eq3A_130 : vector<16xi32>
      %select_n3A_132 = arith.select %eq3A_131, %broadcast_in_dim3A_3, %gather3A_54 : vector<16xi1>, vector<16xf32>
      %gt3A_133 = arith.cmpf ogt, %select_n3A_132, %select_n3A_125 : vector<16xf32>
      %select_n3A_134 = arith.select %gt3A_133, %select_n3A_132, %select_n3A_125 : vector<16xi1>, vector<16xf32>
      %jit3A_135 = arith.constant 4 : i32
      %broadcast_in_dim3A_136 = vector.broadcast %jit3A_135 : i32 to vector<16xi32>
      %select_n3A_137 = arith.select %gt3A_133, %broadcast_in_dim3A_136, %select_n3A_128 : vector<16xi1>, vector<16xi32>
      %eq3A_138 = arith.constant 5 : i32
      %eq3A_139 = vector.broadcast %eq3A_138 : i32 to vector<16xi32>
      %eq3A_140 = arith.cmpi eq, %select_n3A_91, %eq3A_139 : vector<16xi32>
      %select_n3A_141 = arith.select %eq3A_140, %broadcast_in_dim3A_3, %gather3A_55 : vector<16xi1>, vector<16xf32>
      %gt3A_142 = arith.cmpf ogt, %select_n3A_141, %select_n3A_134 : vector<16xf32>
      %select_n3A_143 = arith.select %gt3A_142, %select_n3A_141, %select_n3A_134 : vector<16xi1>, vector<16xf32>
      %jit3A_144 = arith.constant 5 : i32
      %broadcast_in_dim3A_145 = vector.broadcast %jit3A_144 : i32 to vector<16xi32>
      %select_n3A_146 = arith.select %gt3A_142, %broadcast_in_dim3A_145, %select_n3A_137 : vector<16xi1>, vector<16xi32>
      %eq3A_147 = arith.constant 6 : i32
      %eq3A_148 = vector.broadcast %eq3A_147 : i32 to vector<16xi32>
      %eq3A_149 = arith.cmpi eq, %select_n3A_91, %eq3A_148 : vector<16xi32>
      %select_n3A_150 = arith.select %eq3A_149, %broadcast_in_dim3A_3, %gather3A_56 : vector<16xi1>, vector<16xf32>
      %gt3A_151 = arith.cmpf ogt, %select_n3A_150, %select_n3A_143 : vector<16xf32>
      %select_n3A_152 = arith.select %gt3A_151, %select_n3A_150, %select_n3A_143 : vector<16xi1>, vector<16xf32>
      %jit3A_153 = arith.constant 6 : i32
      %broadcast_in_dim3A_154 = vector.broadcast %jit3A_153 : i32 to vector<16xi32>
      %select_n3A_155 = arith.select %gt3A_151, %broadcast_in_dim3A_154, %select_n3A_146 : vector<16xi1>, vector<16xi32>
      %eq3A_156 = arith.constant 7 : i32
      %eq3A_157 = vector.broadcast %eq3A_156 : i32 to vector<16xi32>
      %eq3A_158 = arith.cmpi eq, %select_n3A_91, %eq3A_157 : vector<16xi32>
      %select_n3A_159 = arith.select %eq3A_158, %broadcast_in_dim3A_3, %gather3A_57 : vector<16xi1>, vector<16xf32>
      %gt3A_160 = arith.cmpf ogt, %select_n3A_159, %select_n3A_152 : vector<16xf32>
      %select_n3A_161 = arith.select %gt3A_160, %select_n3A_159, %select_n3A_152 : vector<16xi1>, vector<16xf32>
      %jit3A_162 = arith.constant 7 : i32
      %broadcast_in_dim3A_163 = vector.broadcast %jit3A_162 : i32 to vector<16xi32>
      %select_n3A_164 = arith.select %gt3A_160, %broadcast_in_dim3A_163, %select_n3A_155 : vector<16xi1>, vector<16xi32>
      %sub3A = arith.subf %select_n3A_161, %select_n3A_88 : vector<16xf32>
      %exp3A = math.exp %sub3A : vector<16xf32>
      %add3A_165 = arith.addf %broadcast_in_dim3A_5, %exp3A : vector<16xf32>
      %div3A = arith.divf %broadcast_in_dim3A_5, %add3A_165 : vector<16xf32>
      %sub3A_166 = arith.subf %broadcast_in_dim3A_5, %div3A : vector<16xf32>
      %broadcast_in_dim3A_167 = arith.constant 0 : i32
      %broadcast_in_dim3A_168 = vector.broadcast %broadcast_in_dim3A_167 : i32 to vector<16xi32>
      %add3A_169 = vector.broadcast %scan3A_45 : i32 to vector<16xi32>
      %add3A_170 = arith.addi %broadcast_in_dim3A_168, %add3A_169 : vector<16xi32>
      %mul3A_171 = arith.constant 8 : i32
      %mul3A_172 = vector.broadcast %mul3A_171 : i32 to vector<16xi32>
      %mul3A_173 = arith.muli %iota3A, %mul3A_172 : vector<16xi32>
      %add3A_174 = arith.addi %mul3A_173, %select_n3A_91 : vector<16xi32>
      tpu.vector_store_idx %arg5[%add3A_170, %add3A_174], %div3A : memref<64x128xf32, #tpu.memory_space<vmem>>[vector<16xi32>, vector<16xi32>], vector<16xf32>,
      %add3A_175 = arith.addi %mul3A_173, %select_n3A_164 : vector<16xi32>
      tpu.vector_store_idx %arg5[%add3A_170, %add3A_175], %sub3A_166 : memref<64x128xf32, #tpu.memory_space<vmem>>[vector<16xi32>, vector<16xi32>], vector<16xf32>,
      %scan3A_176 = arith.constant 0 : i32
      scf.yield %scan3A_176 : i32
    }
    %scan3A_42 = arith.constant 64 : i32
    %mul3A_43 = arith.constant 64 : i32
    %mul3A_44 = arith.muli %add3A, %mul3A_43 : i32
    "tpu.region"() ({
      %run_scoped3A = tpu.sem_alloc : memref<!tpu.dma_semaphore, #tpu.memory_space<semaphore_mem>>
      %dma_start3A_45 = arith.constant 0 : i32
      %dma_start3A_46 = tpu.memref_slice %arg3[%mul3A_44, %dma_start3A_45] : memref<2048x128xf32, #tpu.memory_space<hbm>> -> memref<64x128xf32, #tpu.memory_space<hbm>>
      %dma_start3A_47 = arith.constant 0 : i32
      %dma_start3A_48 = tpu.memref_slice %arg3[%mul3A_44, %dma_start3A_47] : memref<2048x128xf32, #tpu.memory_space<hbm>> -> memref<64x128xf32, #tpu.memory_space<hbm>>
      tpu.enqueue_dma source(%arg5 : memref<64x128xf32, #tpu.memory_space<vmem>>) target(%dma_start3A_48 : memref<64x128xf32, #tpu.memory_space<hbm>>) target_semaphore(%run_scoped3A : memref<!tpu.dma_semaphore, #tpu.memory_space<semaphore_mem>>)
      %dma_wait3A_49 = arith.constant 0 : i32
      %dma_wait3A_50 = tpu.memref_slice %arg3[%mul3A_44, %dma_wait3A_49] : memref<2048x128xf32, #tpu.memory_space<hbm>> -> memref<64x128xf32, #tpu.memory_space<hbm>>
      %dma_wait3A_51 = arith.constant 0 : i32
      %dma_wait3A_52 = tpu.memref_slice %arg3[%mul3A_44, %dma_wait3A_51] : memref<2048x128xf32, #tpu.memory_space<hbm>> -> memref<64x128xf32, #tpu.memory_space<hbm>>
      tpu.wait_dma2 semaphore(%run_scoped3A : memref<!tpu.dma_semaphore, #tpu.memory_space<semaphore_mem>>) src(%arg5 : memref<64x128xf32, #tpu.memory_space<vmem>>) dst(%dma_wait3A_52 : memref<64x128xf32, #tpu.memory_space<hbm>>)
      tpu.yield
    }) : () -> ()
    return
  }
}

module attributes {stable_mosaic.version = 14 : i64} {
  func.func @_tc_dot_body(%arg0: i32, %arg1: memref<4096x768xf32, #tpu.memory_space<vmem>>, %arg2: memref<768x128xf32, #tpu.memory_space<vmem>>, %arg3: memref<4096x128xf32, #tpu.memory_space<vmem>>) attributes {dimension_semantics = [#tpu.dimension_semantics<arbitrary>], iteration_bounds = array<i64: 8>, scalar_prefetch = 0 : i64, scratch_operands = 0 : i64, tpu.core_type = #tpu.core_type<tc>, window_params = [{transform_indices = @transform_0, window_bounds = array<i64: 4096, 768>}, {pipeline_mode = #tpu.pipeline_mode<synchronous>, transform_indices = @transform_1, window_bounds = array<i64: 768, 128>}, {transform_indices = @transform_2, window_bounds = array<i64: 4096, 128>}]} {
    %get3A = arith.constant 0 : index
    %get3A_0 = arith.constant 0 : index
    %get3A_1 = vector.load %arg1[%get3A, %get3A_0] : memref<4096x768xf32, #tpu.memory_space<vmem>>, vector<4096x768xf32>
    %get3A_2 = arith.constant 0 : index
    %get3A_3 = arith.constant 0 : index
    %get3A_4 = vector.load %arg2[%get3A_2, %get3A_3] : memref<768x128xf32, #tpu.memory_space<vmem>>, vector<768x128xf32>
    %dot_general3A = arith.constant dense<0.000000e+00> : vector<4096x128xf32>
    %dot_general3A_5 = tpu.matmul %get3A_1, %get3A_4, %dot_general3A {dimension_numbers = #tpu.dot_dimension_numbers<[1], [0], [0], [1], [0, 0, 1, 1], [], []>, transpose_lhs_hint = false} : vector<4096x768xf32>, vector<768x128xf32>, vector<4096x128xf32> -> vector<4096x128xf32>
    %swap3A = arith.constant 0 : index
    %swap3A_6 = arith.constant 0 : index
    %swap3A_7 = vector.load %arg3[%swap3A, %swap3A_6] : memref<4096x128xf32, #tpu.memory_space<vmem>>, vector<4096x128xf32>
    tpu.vector_store %arg3[%swap3A, %swap3A_6], %dot_general3A_5 {strides = array<i32>} : memref<4096x128xf32, #tpu.memory_space<vmem>>, vector<4096x128xf32>,
    return
  }
  func.func @transform_0(%arg0: i32) -> (i32, i32) {
    %add3A = arith.constant 0 : i32
    %add3A_0 = arith.addi %add3A, %arg0 : i32
    %c0_i32 = arith.constant 0 : i32
    %c0_i32_1 = arith.constant 0 : i32
    return %add3A_0, %c0_i32 : i32, i32
  }
  func.func @transform_1(%arg0: i32) -> (i32, i32) {
    %c0_i32 = arith.constant 0 : i32
    %c0_i32_0 = arith.constant 0 : i32
    %c0_i32_1 = arith.constant 0 : i32
    return %c0_i32, %c0_i32_0 : i32, i32
  }
  func.func @transform_2(%arg0: i32) -> (i32, i32) {
    %c0_i32 = arith.constant 0 : i32
    %c0_i32_0 = arith.constant 0 : i32
    return %arg0, %c0_i32 : i32, i32
  }
}

</mosaic_0001>

<sc_bundles>
// kernel: kernel.4.cloned.1.call-start
scs
__scs_entry_jumppad:
0x0: {  	(pc) =	sbr.rel $0x88, $3  }
0x1: {  	(tag) =	ssettag $0x0;
	lr =	simm.s32 $0x1  }
0x2: {  	[smem:$0x3F9F] =	sst lr;
	_ =	strace $0xD0000000  }
0x3: {  	_ = 	snop  }
0x4: {  	_ = 	snop  }
0x5: {  	_ = 	snop  }
0x6: {  	_ = 	snop  }
0x7: {  	_ = 	snop  }
__scs_overlays_trampoline_lowered:
0x8: {  	[smem:$0x3FAE] =	sst s0  }
0x9: {  	[smem:$0x3FAF] =	sst s1  }
0xa: {  	[smem:$0x3FB0] =	sst s2  }
0xb: {  	[smem:$0x3FB1] =	sst s3  }
0xc: {  	[smem:$0x3FB2] =	sst s4  }
0xd: {  	[smem:$0x3FB3] =	sst s5  }
0xe: {  	[smem:$0x3FB4] =	sst s6  }
0xf: {  	[smem:$0x3FB5] =	sst s7  }
0x10: {  	[smem:$0x3FB6] =	sst s8  }
0x11: {  	[smem:$0x3FB7] =	sst s9;
	s0 =	simm.s32 @!p0 $0x0  }
0x12: {  	s1 =	sld [smem:$0x3F9D];
	s0 =	simm.s32 @p0 $0x1  }
0x13: {  	[smem:$0x3FB8] =	sst s0;
	s0 =	simm.s32 @!p1 $0x0  }
0x14: {  	s2 =	sld [smem:$0x3F9C];
	s0 =	simm.s32 @p1 $0x1  }
0x15: {  	[smem:$0x3FB9] =	sst s0;
	s0 =	simm.s32 @!p2 $0x0  }
0x16: {  	s3 =	sld [smem:$0x3FDB];
	s0 =	simm.s32 @p2 $0x1  }
0x17: {  	s4 =	simm.s32 $0x1BF5;
	[smem:$0x3FBB] =	sst s0  }
0x18: {  	s0 =	sld [smem:$0x3F9E];
	_ =	swait.ge [sflag:s4], $0x0  }
0x19: {  	s7 =	sld [smem:$0x3F9F]  }
0x1a: {  	s8 =	sadd.s32 $0xFFFFE003, lr  }
0x1b: {  	s9 =	sadd.s32 $0xFFFFFEF7, lr;
	s5 =	simm.s32 $0xFFFFFFFF;
	p2 =	slt.u32 s8, $0xFFFFF086  }
0x1c: {  	p1 =	slt.u32 s9, $0xF7A;
	s5 =	simm.s32 @!p2 $0x0  }
0x1d: {  	s5 =	simm.s32 @p1 $0x1;
	p0 =	seq.s32 s7, s2  }
0x1e: {  	s7 =	smul.u32 @!p0 $0xF7A, s2;
	p2 =	seq.s32 @!p0 s5, $0x0  }
0x1f: {  	s9 =	smul.u32 $0xF7A, s1;
	s8 =	simm.s32 @!p0 $0x1BF5;
	p2 =	por !p2, p0  }
0x20: {  	[sflag:s8] =	ssyncset.s32 @!p0 $0xFFFFF086;
	s6 =	sadd.s32 @!p0 s3, s7;
	s7 =	simm.s32 @!p0 $0x108  }
0x21: {  	s3 =	sadd.s32 s3, s9;
	s6 =	sadd.s32 @!p0 $0x88, s6;
	s7 =	simm.s32 @p2 $0x1082  }
0x22: {  	[simem:s7], [sflag:s8] =	dma.local @!p0 [hbm:s6], $0xF7A  }
0x23: {  	s9 =	sor.u32 $0xD0000000, s2;
	s6 =	simm.s32 $0x108;
	_ =	swait.ge @!p0 [sflag:s8], $0x0  }
0x24: {  	s3 =	sadd.s32 $0x88, s3;
	s6 =	simm.s32 @!p1 $0x1082;
	[sflag:s4] =	ssyncset.s32 $0xFFFFF086  }
0x25: {  	[simem:s6], [sflag:s4] =	dma.local [hbm:s3], $0xF7A  }
0x26: {  	[smem:$0x3F9F] =	sst s1;
	(tag) =	ssettag s2;
	_ =	strace s9  }
0x27: {  	s1 =	sld [smem:$0x3FAF]  }
0x28: {  	s2 =	sld [smem:$0x3FB0]  }
0x29: {  	s4 =	sld [smem:$0x3FB2]  }
0x2a: {  	p0 =	seq.s32 s5, $0x0;
	s5 =	sld [smem:$0x3FB3]  }
0x2b: {  	s6 =	sld [smem:$0x3FB4]  }
0x2c: {  	s7 =	sld [smem:$0x3FB5]  }
0x2d: {  	s3 =	simm.s32 $0x108;
	s8 =	sld [smem:$0x3FB6]  }
0x2e: {  	s3 =	simm.s32 @!p0 $0x1082;
	s9 =	sld [smem:$0x3FB7]  }
0x2f: {  	lr =	sadd.s32 s0, s3;
	s0 =	sld [smem:$0x3FAE]  }
0x30: {  	s3 =	sld [smem:$0x3FB1]  }
0x31: {  	[smem:$0x3FBA] =	sst s10  }
0x32: {  	s10 =	sld [smem:$0x3FB8];
	_ =	sdelay $0x3  }
0x33: {  	p0 =	seq.s32 s10, $0x1;
	s10 =	sld [smem:$0x3FBA];
	_ =	sdelay $0x3  }
0x34: {  	[smem:$0x3FBA] =	sst s10  }
0x35: {  	s10 =	sld [smem:$0x3FB9];
	_ =	sdelay $0x3  }
0x36: {  	p1 =	seq.s32 s10, $0x1;
	s10 =	sld [smem:$0x3FBA];
	_ =	sdelay $0x3  }
0x37: {  	[smem:$0x3FBA] =	sst s10  }
0x38: {  	s10 =	sld [smem:$0x3FBB]  }
0x39: {  	_ = 	snop;
	(pc) =	sbr.ind lr, $3  }
0x3a: {  	_ = 	snop  }
0x3b: {  	_ = 	snop  }
0x3c: {  	p2 =	seq.s32 s10, $0x1;
	s10 =	sld [smem:$0x3FBA]  }
0x3d: {  	_ =	shalt  }
0x3e: {  	_ =	shalt  }
0x3f: {  	_ =	shalt  }
0x40: {  	_ =	shalt  }
0x41: {  	_ =	shalt  }
0x42: {  	_ =	shalt  }
0x43: {  	_ =	shalt  }
0x44: {  	_ =	shalt  }
0x45: {  	_ =	shalt  }
0x46: {  	_ =	shalt  }
0x47: {  	_ =	shalt  }
0x48: {  	_ =	shalt  }
0x49: {  	_ =	shalt  }
0x4a: {  	_ =	shalt  }
0x4b: {  	_ =	shalt  }
0x4c: {  	_ =	shalt  }
0x4d: {  	_ =	shalt  }
0x4e: {  	_ =	shalt  }
0x4f: {  	_ =	shalt  }
0x50: {  	_ =	shalt  }
0x51: {  	_ =	shalt  }
0x52: {  	_ =	shalt  }
0x53: {  	_ =	shalt  }
0x54: {  	_ =	shalt  }
0x55: {  	_ =	shalt  }
0x56: {  	_ =	shalt  }
0x57: {  	_ =	shalt  }
0x58: {  	_ =	shalt  }
0x59: {  	_ =	shalt  }
0x5a: {  	_ =	shalt  }
0x5b: {  	_ =	shalt  }
0x5c: {  	_ =	shalt  }
0x5d: {  	_ =	shalt  }
0x5e: {  	_ =	shalt  }
0x5f: {  	_ =	shalt  }
0x60: {  	_ =	shalt  }
0x61: {  	_ =	shalt  }
0x62: {  	_ =	shalt  }
0x63: {  	_ =	shalt  }
0x64: {  	_ =	shalt  }
0x65: {  	_ =	shalt  }
0x66: {  	_ =	shalt  }
0x67: {  	_ =	shalt  }
0x68: {  	_ =	shalt  }
0x69: {  	_ =	shalt  }
0x6a: {  	_ =	shalt  }
0x6b: {  	_ =	shalt  }
0x6c: {  	_ =	shalt  }
0x6d: {  	_ =	shalt  }
0x6e: {  	_ =	shalt  }
0x6f: {  	_ =	shalt  }
0x70: {  	_ =	shalt  }
0x71: {  	_ =	shalt  }
0x72: {  	_ =	shalt  }
0x73: {  	_ =	shalt  }
0x74: {  	_ =	shalt  }
0x75: {  	_ =	shalt  }
0x76: {  	_ =	shalt  }
0x77: {  	_ =	shalt  }
0x78: {  	_ =	shalt  }
0x79: {  	_ =	shalt  }
0x7a: {  	_ =	shalt  }
0x7b: {  	_ =	shalt  }
0x7c: {  	_ =	shalt  }
0x7d: {  	_ =	shalt  }
0x7e: {  	_ =	shalt  }
0x7f: {  	_ =	shalt  }
0x80: {  	_ =	shalt  }
0x81: {  	_ =	shalt  }
0x82: {  	_ =	shalt  }
0x83: {  	_ =	shalt  }
0x84: {  	_ =	shalt  }
0x85: {  	_ =	shalt  }
0x86: {  	_ =	shalt  }
0x87: {  	_ =	shalt  }
.Lfunc_end0:
.L_simem_size_0:
called_computation_lowered:
.L_overlay_start_0:
0x88: {  	s2 =	sld [smem:$0x3FD9]  }
0x89: {  	s3 =	sld [smem:$0x3FFE];
	_ =	sdelay $0x1  }
0x8a: {  	s1 =	srdreg.scid  }
0x8b: {  	s0 =	sand.u32 $0x1, s1  }
0x8c: {  	s17 =	sshll.u32 s0, $0xA;
	s2 =	sadd.s32 s3, s2  }
0x8d: {  	s2 =	sadd.s32 s2, s17  }
0x8e: {  	[smem:$0x3FC6] =	sst s2  }
0x8f: {  	_ = 	snop  }
0x90: {  	s2 =	sld [smem:$0x3FD0];
	(tm) =	ssettm $0x1  }
0x91: {  	s18 =	sld [smem:$0x3FFB];
	_ =	sdelay $0x3  }
0x92: {  	_ =	strace s18  }
0x93: {  	s3 =	sld [smem:$0x3FFC];
	_ =	sdelay $0x3  }
0x94: {  	_ =	strace s3  }
0x95: {  	s3 =	sld [smem:$0x3FFD];
	_ =	sdelay $0x3  }
0x96: {  	_ =	strace s3  }
0x97: {  	_ =	strace $0x8FFFFFFF  }
0x98: {  	s19 =	sld [smem:$0x3FDB];
	_ =	sdelay $0x1  }
0x99: {  	s4 =	simm.s32 $_scs_section_size  }
0x9a: {  	s5 =	simm.s32 $_size__tile_overlayer_lowered;
	s6 =	simm.s32 $_tile_overlayer_lowered  }
0x9b: {  	s22 =	simm.s32 $0x1BFF;
	s21 =	sshll.u32 s6, $0x1;
	s3 =	sadd.s32 s4, s19  }
0x9c: {  	s7 =	simm.s32 $0x0;
	s20 =	sshll.u32 s5, $0x1;
	s5 =	sadd.s32 s21, s3  }
0x9d: {  	[timem:s7], [sflag:s22] =	dma.local [hbm:s5], s20  }
0x9e: {  	_ =	swait.ge [sflag:s22], s20  }
0x9f: {  	s4 =	ssub.s32 $0x0, s20;
	[sflag:s22] =	ssyncset.done $0x0  }
0xa0: {  	[sflag:s22] =	ssyncadd.s32 s4;
	_ =	sdelay $0x1  }
0xa1: {  	s23 =	simm.s32 $0x1B8B  }
0xa2: {  	_ =	swait.ge [sflag:s23], $0x1  }
0xa3: {  	[sflag:s23] =	ssyncset.done $0x0  }
0xa4: {  	s25 =	simm.s32 $0x1B8E;
	s24 =	sld [smem:$0x3FFE];
	[sflag:s23] =	ssyncadd.s32 $0xFFFFFFFF  }
0xa5: {  	s26 =	simm.s32 $execute0_lowered;
	[smem:$0x3FD2] =	sst s25  }
0xa6: {  	s5 =	sshll.u32 s26, $0x1;
	_ =	strace $0x80000046;
	[dreg:$0x1] =	wrdreg $0xFFFFFFFF  }
0xa7: {  	s28 =	simm.s32 $_size_execute0_lowered;
	s3 =	sadd.s32 s3, s5;
	[dreg:$0x0] =	wrdreg $0x0  }
0xa8: {  	s5 =	sshll.u32 s28, $0x1;
	[dreg:$0x2] =	wrdreg s3  }
0xa9: {  	[dreg:$0x3] =	wrdreg s5  }
0xaa: {  	[dreg:$0x4] =	wrdreg $0xC0  }
0xab: {  	_ =	task [dreg:s7], $0x5FFFF  }
0xac: {  	[dreg:$0x1] =	wrdreg $0xFFFFFFFF  }
0xad: {  	[dreg:$0x0] =	wrdreg $0x60  }
0xae: {  	[dreg:$0x2] =	wrdreg s24  }
0xaf: {  	[dreg:$0x3] =	wrdreg s2  }
0xb0: {  	[dreg:$0x4] =	wrdreg $0x9  }
0xb1: {  	_ =	task.clear_ibuf [dreg:s7], $0x5FFFF;
	_ =	strace $0x90000046  }
0xb2: {  	s29 =	simm.s32 $0x9;
	_ =	strace $0x80000048  }
0xb3: {  	_ =	swait.ge [sflag:s29], $0x1  }
0xb4: {  	[sflag:s29] =	ssyncadd.s32 $0xFFFFFFFF  }
0xb5: {  	_ =	strace $0x90000048  }
0xb6: {  	_ =	sfence  }
0xb7: {  	s30 =	sld [smem:$0x0];
	_ =	sdelay $0x2  }
0xb8: {  	s31 =	sshll.u32 s1, $0xD;
	s1 =	sshrl.u32 s1, $0x2  }
0xb9: {  	s3 =	sand.u32 $0x4000, s31;
	s1 =	sadd.s32 s1, s30  }
0xba: {  	s0 =	sor.u32 s3, s0;
	s1 =	sshll.u32 s1, $0x11  }
0xbb: {  	s0 =	sor.u32 s1, s0  }
0xbc: {  	s0 =	sadd.s32 $0x8F2B, s0  }
0xbd: {  	[sflag:s0] =	ssyncadd.remote.s32 $0x1  }
0xbe: {  	_ =	sfence.sel $0xFFFF  }
0xbf: {  	[dreg:$0x0] =	wrdreg $0xFFFFFFFF;
	(pc) =	sbr.abs _section_cstart, $3  }
0xc0: {  	[dreg:$0x1] =	wrdreg $0xFFFFFFFF  }
0xc1: {  	_ =	task.clear_ibuf [dreg:s7], $0x2FFFF;
	_ =	strace $0x9FFFFFFF  }
0xc2: {  	(tm) =	ssettm $0x7FFFFFFF  }
0xc3: {  	_ =	shalt  }
tec
execute0_lowered:
.L_overlay_start_1:
0x0: {  	(tag) =	ssettag $0x1  }
0x1: {  	s3 =	rddreg [dreg:$0x0]  }
0x2: {  	s4 =	rddreg [dreg:$0x1]  }
0x3: {  	s0 =	rddreg [dreg:$0x2]  }
0x4: {  	s5 =	srdreg.scid;
	s1 =	stileid.u32  }
0x5: {  	s2 =	simm.s32 $0x0;
	s9 =	simm.s32 $0x4000;
	s10 =	simm.s32 $0x2  }
0x6: {  	v2 =	vlaneseq.u32;
	s11 =	simm.s32 $0x0;
	s5 =	sand.u32 $0x1, s5;
	s6 =	sshll.u32 s1, $0x1  }
0x7: {  	[smem:$0x7FF] =	sst s2;
	v0 =	vmul.u32 $0x8, v2;
	s6 =	sor.u32 s5, s6;
	s5 =	ssub.s32 $0x2, s5  }
0x8: {  	v1 =	vimm.f32 $0.0e+00;
	_ =	strace $0x80000047;
	s7 =	sshll.u32 s6, $0xE;
	s8 =	sshrl.u32 s5, $0x1  }
0x9: {  	v3 =	vimm.s32 $0x0;
	v2 =	vmul.u32 $0x10, v2;
	s6 =	sshll.u32 s6, $0xA;
	v4 =	vor.u32 $0x1, v0;
	s3 =	sadd.s32 s7, s3;
	s5 =	ssub.s32 s5, s8  }
0xa: {  	v5 =	vor.u32 $0x2, v0;
	v6 =	vor.u32 $0x3, v0;
	v7 =	vor.u32 $0x4, v0;
	s4 =	sadd.s32 s4, s6;
	s6 =	simm.s32 $0x10;
	s7 =	simm.s32 $0x80  }
0xb: {  	v8 =	vor.u32 $0x5, v0;
	v9 =	vor.u32 $0x6, v0;
	v10 =	vor.u32 $0x7, v0;
	s8 =	simm.s32 $0x1;
	s3 =	sadd.s32 $0x200, s3;
	s5 =	smax.u32 s5, $0x1  }
.LBB2_1:
0xc: {  	[tilespmem:s2], [sflag:$0x1] =	stream.strided.gather [hbm4b:s3+s6], $0x4000, s7, s6, $0x38;
	[tilespmem:$0x6000] =	vst v63  }
0xd: {  	s12 =	simm.s32 $0x0;
	s13 =	simm.s32 $0x200  }
.LBB2_2:
0xe: {  	p0 =	sne.s32 s13, $0x7E00;
	[tilespmem:s12+$0x4070] =	vst v1  }
0xf: {  	[tilespmem:s12+$0x4000] =	vst v1  }
0x10: {  	[tilespmem:s12+$0x4010] =	vst v1  }
.Ltmp0:
0x11: {  	[tilespmem:s12+$0x4020] =	vst v1;
	(pc) =	sbr.rel @p0 .LBB2_2-.Ltmp0, $4  }
0x12: {  	[tilespmem:s12+$0x4030] =	vst v1  }
0x13: {  	[tilespmem:s12+$0x4040] =	vst v1  }
0x14: {  	[tilespmem:s12+$0x4050] =	vst v1  }
0x15: {  	[tilespmem:s12+$0x4060] =	vst v1;
	s12 =	sshra.s32 s13, $0x2;
	s13 =	sadd.s32 $0x200, s13  }
0x16: {  	[tilespmem:s12+$0x4070] =	vst v1  }
0x17: {  	[tilespmem:s12+$0x4000] =	vst v1  }
0x18: {  	[tilespmem:s12+$0x4010] =	vst v1  }
0x19: {  	[tilespmem:s12+$0x4020] =	vst v1;
	s13 =	simm.s32 $0x0  }
0x1a: {  	[tilespmem:s12+$0x4030] =	vst v1;
	v11 =	vmov s13  }
0x1b: {  	[tilespmem:s12+$0x4040] =	vst v1;
	v11 =	vshll.u32 v11, $0x4  }
0x1c: {  	[tilespmem:s12+$0x4050] =	vst v1;
	v11 =	vor.u32 v2, v11  }
0x1d: {  	[tilespmem:s12+$0x4060] =	vst v1;
	v12 =	vor.u32 $0x1, v11  }
0x1e: {  	_ =	swait.ge [sflag:s8], $0x4000  }
0x1f: {  	[sflag:s8] =	ssyncset.done $0x0;
	v13 =	vor.u32 $0x2, v11  }
0x20: {  	[sflag:s8] =	ssyncadd.s32 $0xFFFFC000  }
0x21: {  	v14 =	vor.u32 $0x3, v11;
	v15 =	vld.idx.msk [tilespmem:v11+s2+$0x0], $0xffff  }
0x22: {  	v12 =	vld.idx.msk [tilespmem:v12+s2+$0x0], $0xffff  }
0x23: {  	v16 =	vor.u32 $0x4, v11  }
0x24: {  	v13 =	vld.idx.msk [tilespmem:v13+s2+$0x0], $0xffff  }
0x25: {  	v17 =	vor.u32 $0x5, v11  }
0x26: {  	v14 =	vld.idx.msk [tilespmem:v14+s2+$0x0], $0xffff  }
0x27: {  	v18 =	vor.u32 $0x6, v11;
	vm0 =	vgt.f32 v12, v15  }
0x28: {  	v16 =	vld.idx.msk [tilespmem:v16+s2+$0x0], $0xffff;
	v19 =	vsel vm0, v12, v15  }
0x29: {  	v11 =	vor.u32 $0x7, v11;
	vm1 =	vgt.f32 v13, v19  }
0x2a: {  	v17 =	vld.idx.msk [tilespmem:v17+s2+$0x0], $0xffff;
	v19 =	vsel vm1, v13, v19  }
0x2b: {  	vm2 =	vgt.f32 v14, v19  }
0x2c: {  	v18 =	vld.idx.msk [tilespmem:v18+s2+$0x0], $0xffff;
	v19 =	vsel vm2, v14, v19  }
0x2d: {  	vm3 =	vgt.f32 v16, v19  }
0x2e: {  	v11 =	vld.idx.msk [tilespmem:v11+s2+$0x0], $0xffff;
	v19 =	vsel vm3, v16, v19  }
0x2f: {  	v20 =	vsel vm0, $0x1, v3;
	vm7 =	vgt.f32 v17, v19  }
0x30: {  	v20 =	vsel vm1, $0x2, v20;
	v19 =	vsel vm7, v17, v19  }
0x31: {  	v20 =	vsel vm2, $0x3, v20;
	vm1 =	vgt.f32 v18, v19  }
0x32: {  	v20 =	vsel vm3, $0x4, v20;
	v19 =	vsel vm1, v18, v19  }
0x33: {  	v20 =	vsel vm7, $0x5, v20;
	vm8 =	vgt.f32 v11, v19  }
0x34: {  	v20 =	vsel vm1, $0x6, v20;
	vm0 =	vmneg vm8  }
0x35: {  	v20 =	vnsel vm0, $0x7, v20  }
0x36: {  	vm9 =	veq.s32 v20, $0x0  }
0x37: {  	v15 =	vsel vm9, $0xFF800000, v15  }
0x38: {  	vm10 =	veq.s32 v20, $0x1;
	vm11 =	vgt.f32 v15, $-Inf  }
0x39: {  	v12 =	vsel vm10, $0xFF800000, v12;
	v15 =	vnsel vm11, $0xFF800000, v15  }
0x3a: {  	vm12 =	veq.s32 v20, $0x2;
	vm3 =	vgt.f32 v12, v15  }
0x3b: {  	v13 =	vsel vm12, $0xFF800000, v13;
	v12 =	vsel vm3, v12, v15  }
0x3c: {  	vm13 =	veq.s32 v20, $0x3;
	vm4 =	vgt.f32 v13, v12  }
0x3d: {  	v12 =	vsel vm4, v13, v12;
	v13 =	vsel vm13, $0xFF800000, v14  }
0x3e: {  	vm14 =	veq.s32 v20, $0x4;
	vm5 =	vgt.f32 v13, v12  }
0x3f: {  	v12 =	vsel vm5, v13, v12;
	v13 =	vsel vm14, $0xFF800000, v16  }
0x40: {  	vm15 =	veq.s32 v20, $0x5;
	vm6 =	vgt.f32 v13, v12  }
0x41: {  	v12 =	vsel vm6, v13, v12;
	v13 =	vsel vm15, $0xFF800000, v17  }
0x42: {  	vm1 =	vmand vm1, vm0;
	vm2 =	vgt.f32 v13, v12  }
0x43: {  	v12 =	vsel vm2, v13, v12;
	v13 =	vsel vm1, $0xFF800000, v18  }
0x44: {  	vm1 =	vgt.f32 v13, v12  }
0x45: {  	v12 =	vsel vm1, v13, v12;
	v13 =	vnsel vm0, $0xFF800000, v11  }
0x46: {  	vm7 =	vgt.f32 v13, v12  }
0x47: {  	v11 =	vsel vm0, v19, v11;
	v12 =	vsel vm7, v13, v12  }
0x48: {  	v11 =	vsub.f32 v12, v11;
	_ =	sdelay $0x1  }
0x49: {  	v11 =	vmul.f32 $1.442695020e+00, v11;
	_ =	sdelay $0x1  }
0x4a: {  	(erf) = vpow2.f32 v11;
	_ =	sdelay $0x8  }
0x4b: {  	v11 =	vpop (erf)  }
0x4c: {  	v12 =	vsel vm3, v4, v0;
	v11 =	vadd.f32 $1.000000000e+00, v11  }
0x4d: {  	v12 =	vsel vm4, v5, v12  }
0x4e: {  	(erf) = vrcp.f32 v11;
	v11 =	vsel vm5, v6, v12  }
0x4f: {  	v11 =	vsel vm6, v7, v11  }
0x50: {  	v12 =	vadd.s32 v0, v20;
	v11 =	vsel vm2, v8, v11  }
0x51: {  	s31 =	simm.s32 $0x0;
	v12 =	vand.u32 $0xFFFFFFF8, v12;
	v11 =	vsel vm1, v9, v11  }
0x52: {  	v12 =	vadd.s32 s31, v12;
	v11 =	vsel vm7, v10, v11  }
0x53: {  	s13 =	simm.s32 $0x10;
	v13 =	vadd.s32 v20, v12;
	v14 =	vand.u32 $0xFFFFFFF8, v11  }
0x54: {  	v12 =	vmov s13;
	v11 =	vand.u32 $0x7, v11;
	v14 =	vadd.s32 s31, v14  }
0x55: {  	v12 =	vshll.u32 v12, $0x4;
	v19 =	vor.u32 v11, v14  }
0x56: {  	v17 =	vor.u32 v2, v12  }
0x57: {  	v18 =	vor.u32 $0x1, v17;
	v16 =	vor.u32 $0x2, v17;
	v11 =	vpop (erf)  }
0x58: {  	v15 =	vor.u32 $0x4, v17;
	v12 =	vor.u32 $0x5, v17;
	v20 =	vsub.f32 $1.000000000e+00, v11  }
0x59: {  	s12 =	simm.s32 $0x1;
	s14 =	simm.s32 $0x2;
	v14 =	vor.u32 $0x3, v17;
	[tilespmem:v13+s9+$0x0] =	vst.idx.msk $0xffff, v11;
	v13 =	vor.u32 $0x6, v17;
	v11 =	vor.u32 $0x7, v17  }
.LBB2_4:
0x5a: {  	p0 =	sne.s32 s14, $0x3F;
	[tilespmem:v19+s9+$0x0] =	vst.idx.msk $0xffff, v20;
	s15 =	smov.u32 s14;
	s14 =	sadd.s32 $0x1, s14  }
0x5b: {  	v17 =	vld.idx.msk [tilespmem:v17+s2+$0x0], $0xffff  }
0x5c: {  	v18 =	vld.idx.msk [tilespmem:v18+s2+$0x0], $0xffff;
	_ =	sdelay $0x1  }
0x5d: {  	v16 =	vld.idx.msk [tilespmem:v16+s2+$0x0], $0xffff;
	_ =	sdelay $0x1  }
0x5e: {  	v14 =	vld.idx.msk [tilespmem:v14+s2+$0x0], $0xffff;
	_ =	sdelay $0x1  }
0x5f: {  	vm0 =	vgt.f32 v18, v17;
	v15 =	vld.idx.msk [tilespmem:v15+s2+$0x0], $0xffff  }
0x60: {  	v19 =	vsel vm0, v18, v17  }
0x61: {  	vm1 =	vgt.f32 v16, v19;
	v12 =	vld.idx.msk [tilespmem:v12+s2+$0x0], $0xffff  }
0x62: {  	v19 =	vsel vm1, v16, v19  }
0x63: {  	vm2 =	vgt.f32 v14, v19;
	v13 =	vld.idx.msk [tilespmem:v13+s2+$0x0], $0xffff  }
0x64: {  	v19 =	vsel vm2, v14, v19  }
0x65: {  	vm3 =	vgt.f32 v15, v19;
	v11 =	vld.idx.msk [tilespmem:v11+s2+$0x0], $0xffff  }
0x66: {  	v19 =	vsel vm3, v15, v19  }
0x67: {  	v20 =	vsel vm0, $0x1, v3;
	vm0 =	vgt.f32 v12, v19  }
0x68: {  	v20 =	vsel vm1, $0x2, v20;
	v19 =	vsel vm0, v12, v19  }
0x69: {  	v20 =	vsel vm2, $0x3, v20;
	vm1 =	vgt.f32 v13, v19  }
0x6a: {  	v20 =	vsel vm3, $0x4, v20;
	v19 =	vsel vm1, v13, v19  }
0x6b: {  	v20 =	vsel vm0, $0x5, v20;
	vm0 =	vgt.f32 v11, v19  }
0x6c: {  	v20 =	vsel vm1, $0x6, v20;
	vm0 =	vmneg vm0  }
0x6d: {  	v19 =	vsel vm0, v19, v11;
	v20 =	vnsel vm0, $0x7, v20;
	vm1 =	vmand vm1, vm0  }
0x6e: {  	vm2 =	veq.s32 v20, $0x0;
	vm3 =	veq.s32 v20, $0x1;
	vm4 =	veq.s32 v20, $0x2  }
0x6f: {  	vm5 =	veq.s32 v20, $0x4;
	v17 =	vsel vm2, $0xFF800000, v17;
	vm2 =	veq.s32 v20, $0x3  }
0x70: {  	vm7 =	veq.s32 v20, $0x5;
	v21 =	vadd.s32 v0, v20;
	vm6 =	vgt.f32 v17, $-Inf  }
0x71: {  	s16 =	sshll.u32 s12, $0x7;
	s12 =	smov.u32 s15;
	v18 =	vsel vm3, $0xFF800000, v18;
	v21 =	vand.u32 $0xFFFFFFF8, v21;
	v17 =	vnsel vm6, $0xFF800000, v17  }
0x72: {  	v21 =	vadd.s32 s16, v21;
	vm3 =	vgt.f32 v18, v17  }
0x73: {  	v16 =	vsel vm4, $0xFF800000, v16;
	v21 =	vadd.s32 v20, v21;
	v17 =	vsel vm3, v18, v17  }
0x74: {  	vm4 =	vgt.f32 v16, v17  }
0x75: {  	v14 =	vsel vm2, $0xFF800000, v14;
	v16 =	vsel vm4, v16, v17  }
0x76: {  	vm2 =	vgt.f32 v14, v16  }
0x77: {  	v15 =	vsel vm5, $0xFF800000, v15;
	v14 =	vsel vm2, v14, v16;
	v16 =	vsel vm3, v4, v0  }
0x78: {  	vm3 =	vgt.f32 v15, v14;
	v16 =	vsel vm4, v5, v16  }
0x79: {  	v12 =	vsel vm7, $0xFF800000, v12;
	v14 =	vsel vm3, v15, v14;
	v15 =	vsel vm2, v6, v16  }
0x7a: {  	vm2 =	vgt.f32 v12, v14;
	v15 =	vsel vm3, v7, v15  }
0x7b: {  	v13 =	vsel vm1, $0xFF800000, v13;
	v12 =	vsel vm2, v12, v14;
	v14 =	vsel vm2, v8, v15  }
0x7c: {  	vm1 =	vgt.f32 v13, v12  }
0x7d: {  	v11 =	vnsel vm0, $0xFF800000, v11;
	v12 =	vsel vm1, v13, v12;
	v13 =	vsel vm1, v9, v14  }
0x7e: {  	vm0 =	vgt.f32 v11, v12  }
0x7f: {  	v11 =	vsel vm0, v11, v12;
	v12 =	vsel vm0, v10, v13  }
0x80: {  	v11 =	vsub.f32 v11, v19;
	v13 =	vand.u32 $0xFFFFFFF8, v12  }
0x81: {  	v13 =	vadd.s32 s16, v13  }
0x82: {  	v11 =	vmul.f32 $1.442695020e+00, v11;
	_ =	sdelay $0x1  }
0x83: {  	(erf) = vpow2.f32 v11;
	_ =	sdelay $0x8  }
0x84: {  	v11 =	vpop (erf)  }
0x85: {  	v11 =	vadd.f32 $1.000000000e+00, v11;
	_ =	sdelay $0x1  }
0x86: {  	(erf) = vrcp.f32 v11;
	_ =	sdelay $0x4  }
0x87: {  	s13 =	sadd.s32 $0x10, s13  }
0x88: {  	v12 =	vand.u32 $0x7, v12;
	v11 =	vmov s13  }
.Ltmp1:
0x89: {  	v19 =	vor.u32 v12, v13;
	v15 =	vshll.u32 v11, $0x4;
	(pc) =	sbr.rel @p0 .LBB2_4-.Ltmp1, $4  }
0x8a: {  	v17 =	vor.u32 v2, v15  }
0x8b: {  	v18 =	vor.u32 $0x1, v17;
	v16 =	vor.u32 $0x2, v17;
	v14 =	vor.u32 $0x3, v17;
	v11 =	vpop (erf)  }
0x8c: {  	v15 =	vor.u32 $0x4, v17;
	v12 =	vor.u32 $0x5, v17;
	v20 =	vsub.f32 $1.000000000e+00, v11;
	[tilespmem:v21+s9+$0x0] =	vst.idx.msk $0xffff, v11  }
0x8d: {  	v13 =	vor.u32 $0x6, v17;
	v11 =	vor.u32 $0x7, v17  }
0x8e: {  	_ =	sdelay $0x3  }
0x8f: {  	[tilespmem:v19+s9+$0x0] =	vst.idx.msk $0xffff, v20  }
0x90: {  	v17 =	vld.idx.msk [tilespmem:v17+s2+$0x0], $0xffff  }
0x91: {  	v18 =	vld.idx.msk [tilespmem:v18+s2+$0x0], $0xffff;
	_ =	sdelay $0x1  }
0x92: {  	v16 =	vld.idx.msk [tilespmem:v16+s2+$0x0], $0xffff;
	_ =	sdelay $0x1  }
0x93: {  	v14 =	vld.idx.msk [tilespmem:v14+s2+$0x0], $0xffff  }
0x94: {  	vm0 =	vgt.f32 v18, v17  }
0x95: {  	v15 =	vld.idx.msk [tilespmem:v15+s2+$0x0], $0xffff;
	v56 =	vsel vm0, v18, v17  }
0x96: {  	vm1 =	vgt.f32 v16, v56  }
0x97: {  	v12 =	vld.idx.msk [tilespmem:v12+s2+$0x0], $0xffff;
	v19 =	vsel vm1, v16, v56  }
0x98: {  	vm2 =	vgt.f32 v14, v19  }
0x99: {  	v13 =	vld.idx.msk [tilespmem:v13+s2+$0x0], $0xffff;
	v19 =	vsel vm2, v14, v19  }
0x9a: {  	vm3 =	vgt.f32 v15, v19  }
0x9b: {  	v11 =	vld.idx.msk [tilespmem:v11+s2+$0x0], $0xffff;
	v19 =	vsel vm3, v15, v19  }
0x9c: {  	v57 =	vsel vm0, $0x1, v3;
	vm7 =	vgt.f32 v12, v19  }
0x9d: {  	v20 =	vsel vm1, $0x2, v57;
	v19 =	vsel vm7, v12, v19  }
0x9e: {  	v20 =	vsel vm2, $0x3, v20;
	vm1 =	vgt.f32 v13, v19  }
0x9f: {  	v20 =	vsel vm3, $0x4, v20;
	v19 =	vsel vm1, v13, v19  }
0xa0: {  	v20 =	vsel vm7, $0x5, v20;
	vm8 =	vgt.f32 v11, v19  }
0xa1: {  	v20 =	vsel vm1, $0x6, v20;
	vm0 =	vmneg vm8  }
0xa2: {  	v20 =	vnsel vm0, $0x7, v20  }
0xa3: {  	vm9 =	veq.s32 v20, $0x0  }
0xa4: {  	v17 =	vsel vm9, $0xFF800000, v17  }
0xa5: {  	vm10 =	veq.s32 v20, $0x1;
	vm11 =	vgt.f32 v17, $-Inf  }
0xa6: {  	v18 =	vsel vm10, $0xFF800000, v18;
	v17 =	vnsel vm11, $0xFF800000, v17  }
0xa7: {  	vm12 =	veq.s32 v20, $0x2;
	vm3 =	vgt.f32 v18, v17  }
0xa8: {  	v16 =	vsel vm12, $0xFF800000, v16;
	v17 =	vsel vm3, v18, v17  }
0xa9: {  	vm13 =	veq.s32 v20, $0x3;
	vm4 =	vgt.f32 v16, v17  }
0xaa: {  	v14 =	vsel vm13, $0xFF800000, v14;
	v16 =	vsel vm4, v16, v17  }
0xab: {  	vm14 =	veq.s32 v20, $0x4;
	vm5 =	vgt.f32 v14, v16  }
0xac: {  	v15 =	vsel vm14, $0xFF800000, v15;
	v14 =	vsel vm5, v14, v16  }
0xad: {  	vm15 =	veq.s32 v20, $0x5;
	vm6 =	vgt.f32 v15, v14  }
0xae: {  	v12 =	vsel vm15, $0xFF800000, v12;
	v14 =	vsel vm6, v15, v14  }
0xaf: {  	vm1 =	vmand vm1, vm0;
	vm2 =	vgt.f32 v12, v14  }
0xb0: {  	v13 =	vsel vm1, $0xFF800000, v13;
	v12 =	vsel vm2, v12, v14  }
0xb1: {  	vm1 =	vgt.f32 v13, v12  }
0xb2: {  	v58 =	vnsel vm0, $0xFF800000, v11;
	v12 =	vsel vm1, v13, v12  }
0xb3: {  	vm7 =	vgt.f32 v58, v12  }
0xb4: {  	v11 =	vsel vm0, v19, v11;
	v12 =	vsel vm7, v58, v12  }
0xb5: {  	v11 =	vsub.f32 v12, v11;
	_ =	sdelay $0x1  }
0xb6: {  	v11 =	vmul.f32 $1.442695020e+00, v11;
	_ =	sdelay $0x1  }
0xb7: {  	(erf) = vpow2.f32 v11;
	_ =	sdelay $0x8  }
0xb8: {  	v11 =	vpop (erf)  }
0xb9: {  	v59 =	vsel vm3, v4, v0;
	v11 =	vadd.f32 $1.000000000e+00, v11  }
0xba: {  	v12 =	vsel vm4, v5, v59  }
0xbb: {  	v12 =	vsel vm5, v6, v12;
	(erf) = vrcp.f32 v11  }
0xbc: {  	v11 =	vsel vm6, v7, v12  }
0xbd: {  	v11 =	vsel vm2, v8, v11  }
0xbe: {  	v60 =	vadd.s32 v0, v20;
	v11 =	vsel vm1, v9, v11  }
0xbf: {  	s12 =	sshll.u32 s12, $0x7;
	v12 =	vand.u32 $0xFFFFFFF8, v60;
	v11 =	vsel vm7, v10, v11  }
0xc0: {  	v12 =	vadd.s32 s12, v12;
	v61 =	vand.u32 $0xFFFFFFF8, v11  }
0xc1: {  	v12 =	vadd.s32 v20, v12;
	v11 =	vand.u32 $0x7, v11;
	v13 =	vadd.s32 s12, v61  }
0xc2: {  	v11 =	vor.u32 v11, v13;
	_ =	sdelay $0x1  }
0xc3: {  	v62 =	vpop (erf)  }
0xc4: {  	s11 =	sadd.s32 $0x1, s11;
	v63 =	vsub.f32 $1.000000000e+00, v62  }
0xc5: {  	p0 =	sne.s32 s11, s5;
	[tilespmem:v12+s9+$0x0] =	vst.idx.msk $0xffff, v62  }
.Ltmp2:
0xc6: {  	[tilespmem:v11+s9+$0x0] =	vst.idx.msk $0xffff, v63;
	(pc) =	sbr.rel @p0 .LBB2_1-.Ltmp2, $4  }
0xc7: {  	[hbm4b:s4+s2] =	stream.linear.scatter [tilespmem:s9], [sflag:$0x2], $0x2000, $0x38;
	[tilespmem:$0x6000] =	vst v63  }
0xc8: {  	_ =	swait.ge [sflag:s10], $0x2000  }
0xc9: {  	[sflag:s10] =	ssyncset.done $0x0  }
0xca: {  	[sflag:s10] =	ssyncadd.s32 $0xFFFFE000  }
0xcb: {  	_ =	sfence.sel $0x180000  }
0xcc: {  	[bflag:$0x0] =	sbarrier.arrive $0xFFFF  }
0xcd: {  	p0 =	sne.s32 s1, $0x0;
	_ =	strace $0x90000047  }
0xce: {  	s0 =	sadd.s32 @!p0 $0x100000, s0;
	[bflag:$0x2] =	sbarrier.arrive $0xFFFF  }
0xcf: {  	[sflag:s0] =	ssyncadd.tile.s32 @!p0 $0x1;
	_ =	shalt  }
.Lfunc_end2:
_tile_overlayer_lowered:
.L_overlay_start_2:
0xd0: {  	(tag) =	ssettag $0x2  }
0xd1: {  	s0 =	rddreg [dreg:$0x0];
	s2 =	stileid.u32  }
0xd2: {  	s1 =	rddreg [dreg:$0x1];
	p0 =	sne.s32 s2, $0x0  }
0xd3: {  	s3 =	rddreg [dreg:$0x2];
	[bflag:$0x3] =	sbarrier.arrive $0xFFFF;
	s2 =	simm.s32 @!p0 $0x1C02  }
0xd4: {  	[timem:s3], [sflag:s2] =	dma.local @!p0 [hbm:s0], s1  }
0xd5: {  	s0 =	simm.s32 @!p0 $0x2  }
0xd6: {  	_ =	swait.ge @!p0 [sflag:s0], s1  }
0xd7: {  	s1 =	ssub.s32 @!p0 $0x0, s1;
	[sflag:s0] =	ssyncset.done @!p0 $0x0  }
0xd8: {  	[sflag:s0] =	ssyncadd.s32 @!p0 s1  }
0xd9: {  	[bflag:$0x3] =	sbarrier.arrive $0xFFFF  }
0xda: {  	_ =	shalt  }

</sc_bundles>
